<compile_context>
chip_gen: v7x
topology: tpu7x:2x2x1
jax: 0.10.2.dev20260603
libtpu: 0.0.44.dev20260713+nightly
codegen_flags: <defaults>
</compile_context>

<pallas_src>
import functools

import jax
import jax.numpy as jnp
from jax import lax
from jax.experimental import pallas as pl
from jax.experimental.pallas import tpu as pltpu
from jax.experimental.pallas import tpu_sc as plsc

N_NODES = 10000
N_EDGES = 320000
D_FEAT = 128
D_PAIR = 2 * D_FEAT
D_EDGE = 16
D_HIDDEN = 512

NC = 2
NS = 16
NW = NC * NS
NG = 5
EG = N_EDGES // NG
EPWG = EG // NW
CH = 80
NCHG = EPWG // CH
NCH2G = (NCHG - 1) // 2
NCHF = N_EDGES // NW // CH
N_PAD = 10240
NPT = N_PAD // NS

_sc_mesh = plsc.VectorSubcoreMesh(core_axis_name="c", subcore_axis_name="s")


def _gather_body(x_hbm, dst_hbm, src_hbm, g_hbm, idx_d, idx_s,
                 bA_d, bA_s, bB_d, bB_s,
                 s_gAd, s_gAs, s_gBd, s_gBs, s_wAd, s_wAs, s_wBd, s_wBs):
    cid = lax.axis_index("c")
    sid = lax.axis_index("s")
    wid = sid * NC + cid
    pltpu.sync_copy(dst_hbm.at[wid], idx_d)
    pltpu.sync_copy(src_hbm.at[wid], idx_s)

    obj_lanes = pl.ds(0, D_FEAT)
    sub_lanes = pl.ds(D_FEAT, D_FEAT)

    pltpu.async_copy(x_hbm.at[idx_d.at[0]], bA_d, s_gAd)
    pltpu.async_copy(x_hbm.at[idx_s.at[0]], bA_s, s_gAs)

    def body(jj, carry):
        j0 = 2 * jj
        j1 = j0 + 1
        j2 = j0 + 2
        pltpu.make_async_copy(x_hbm.at[idx_d.at[j0]], bA_d, s_gAd).wait()
        pltpu.make_async_copy(x_hbm.at[idx_s.at[j0]], bA_s, s_gAs).wait()
        pltpu.async_copy(x_hbm.at[idx_d.at[j1]], bB_d, s_gBd)
        pltpu.async_copy(x_hbm.at[idx_s.at[j1]], bB_s, s_gBs)
        wAd = pltpu.async_copy(bA_d, g_hbm.at[wid, j0, :, obj_lanes], s_wAd)
        wAs = pltpu.async_copy(bA_s, g_hbm.at[wid, j0, :, sub_lanes], s_wAs)
        pltpu.make_async_copy(x_hbm.at[idx_d.at[j1]], bB_d, s_gBd).wait()
        pltpu.make_async_copy(x_hbm.at[idx_s.at[j1]], bB_s, s_gBs).wait()
        wBd = pltpu.async_copy(bB_d, g_hbm.at[wid, j1, :, obj_lanes], s_wBd)
        wBs = pltpu.async_copy(bB_s, g_hbm.at[wid, j1, :, sub_lanes], s_wBs)
        wAd.wait()
        wAs.wait()
        pltpu.async_copy(x_hbm.at[idx_d.at[j2]], bA_d, s_gAd)
        pltpu.async_copy(x_hbm.at[idx_s.at[j2]], bA_s, s_gAs)
        wBd.wait()
        wBs.wait()
        return carry

    lax.fori_loop(0, NCH2G, body, 0)
    j = NCHG - 1
    pltpu.make_async_copy(x_hbm.at[idx_d.at[j]], bA_d, s_gAd).wait()
    pltpu.make_async_copy(x_hbm.at[idx_s.at[j]], bA_s, s_gAs).wait()
    pltpu.sync_copy(bA_d, g_hbm.at[wid, j, :, obj_lanes])
    pltpu.sync_copy(bA_s, g_hbm.at[wid, j, :, sub_lanes])


@jax.jit
def _sc_gather(x, dstg, srcg):
    buf = lambda: pltpu.VMEM((CH, D_FEAT), jnp.float32)
    return pl.kernel(
        _gather_body,
        out_type=jax.ShapeDtypeStruct((NW, NCHG, CH, D_PAIR), jnp.float32),
        mesh=_sc_mesh,
        scratch_types=[
            pltpu.VMEM((NCHG, CH), jnp.int32),
            pltpu.VMEM((NCHG, CH), jnp.int32),
            buf(), buf(), buf(), buf(),
        ] + [pltpu.SemaphoreType.DMA] * 8,
    )(x, dstg, srcg)


def _scatter_body(msg_hbm, dst_hbm, zero_hbm, out_hbm,
                  idx_d, bA, bB, acc, s_lA, s_lB, s_sA, s_sB):
    cid = lax.axis_index("c")
    sid = lax.axis_index("s")
    wid = sid * NC + cid
    pltpu.sync_copy(zero_hbm.at[pl.ds(sid * NPT, NPT)],
                    acc.at[pl.ds(sid * NPT, NPT)])
    pltpu.sync_copy(dst_hbm.at[wid], idx_d)
    plsc.subcore_barrier()

    pltpu.async_copy(msg_hbm.at[wid, 0], bA, s_lA)

    def body(jj, carry):
        j0 = 2 * jj
        j1 = j0 + 1
        j2 = j0 + 2
        pltpu.make_async_copy(msg_hbm.at[wid, j0], bA, s_lA).wait()
        pltpu.async_copy(msg_hbm.at[wid, j1], bB, s_lB)
        sA = pltpu.async_copy(bA, acc.at[idx_d.at[j0]], s_sA, add=True)
        pltpu.make_async_copy(msg_hbm.at[wid, j1], bB, s_lB).wait()
        sB = pltpu.async_copy(bB, acc.at[idx_d.at[j1]], s_sB, add=True)
        sA.wait()
        pltpu.async_copy(msg_hbm.at[wid, j2], bA, s_lA)
        sB.wait()
        return carry

    lax.fori_loop(0, NCH2G, body, 0)
    j = NCHG - 1
    pltpu.make_async_copy(msg_hbm.at[wid, j], bA, s_lA).wait()
    pltpu.sync_copy(bA, acc.at[idx_d.at[j]], add=True)
    plsc.subcore_barrier()
    pltpu.sync_copy(acc.at[pl.ds(sid * NPT, NPT)],
                    out_hbm.at[cid, pl.ds(sid * NPT, NPT)])


@jax.jit
def _sc_scatter(msg4, dstg, zeros_nm):
    return pl.kernel(
        _scatter_body,
        out_type=jax.ShapeDtypeStruct((NC, N_PAD, D_FEAT), jnp.float32),
        mesh=_sc_mesh,
        scratch_types=[
            pltpu.VMEM((NCHG, CH), jnp.int32),
            pltpu.VMEM((CH, D_FEAT), jnp.float32),
            pltpu.VMEM((CH, D_FEAT), jnp.float32),
            pltpu.VMEM_SHARED((N_PAD, D_FEAT), jnp.float32),
        ] + [pltpu.SemaphoreType.DMA] * 4,
    )(msg4, dstg, zeros_nm)


def _count_body(dst_hbm, out_hbm, idx_d, cnt8, tmp16, crow, sh):
    cid = lax.axis_index("c")
    sid = lax.axis_index("s")
    wid = sid * NC + cid
    pltpu.sync_copy(dst_hbm.at[wid], idx_d)

    z16 = jnp.zeros((16,), jnp.float32)

    def zb(k, carry):
        for r in range(8):
            cnt8[r, pl.ds(k * 16, 16)] = z16
        return carry

    lax.fori_loop(0, N_PAD // 16, zb, 0)

    lanes = lax.broadcasted_iota(jnp.int32, (16,), 0)
    rows8 = jnp.bitwise_and(lanes, 7)
    mlo = lanes < 8
    mhi = jnp.logical_not(mlo)
    ones16 = jnp.ones((16,), jnp.float32)

    def hb(j, carry):
        for kk in range(CH // 16):
            iv = idx_d[j, pl.ds(kk * 16, 16)]
            plsc.addupdate_scatter(cnt8, [rows8, iv], ones16, mask=mlo)
            plsc.addupdate_scatter(cnt8, [rows8, iv], ones16, mask=mhi)
        return carry

    lax.fori_loop(0, NCHF, hb, 0)

    def rb(k, carry):
        s = cnt8[0, pl.ds(k * 16, 16)]
        for r in range(1, 8):
            s = s + cnt8[r, pl.ds(k * 16, 16)]
        cnt8[0, pl.ds(k * 16, 16)] = s
        return carry

    lax.fori_loop(0, N_PAD // 16, rb, 0)
    pltpu.sync_copy(cnt8.at[0], sh.at[sid])
    plsc.subcore_barrier()
    pltpu.sync_copy(sh.at[:, pl.ds(sid * NPT, NPT)], tmp16)

    def cb(k, carry):
        s = tmp16[0, pl.ds(k * 16, 16)]
        for r in range(1, NS):
            s = s + tmp16[r, pl.ds(k * 16, 16)]
        crow[pl.ds(k * 16, 16)] = s
        return carry

    lax.fori_loop(0, NPT // 16, cb, 0)
    pltpu.sync_copy(crow, out_hbm.at[cid, pl.ds(sid * NPT, NPT)])


@jax.jit
def _sc_count(dst3):
    return pl.kernel(
        _count_body,
        out_type=jax.ShapeDtypeStruct((NC, N_PAD), jnp.float32),
        mesh=_sc_mesh,
        compiler_params=pltpu.CompilerParams(needs_layout_passes=False),
        scratch_types=[
            pltpu.VMEM((NCHF, CH), jnp.int32),
            pltpu.VMEM((8, N_PAD), jnp.float32),
            pltpu.VMEM((NS, NPT), jnp.float32),
            pltpu.VMEM((NPT,), jnp.float32),
            pltpu.VMEM_SHARED((NS, N_PAD), jnp.float32),
        ],
    )(dst3)


BE = 1280
assert EG % BE == 0


def _mlp_body(g, eat, w1os, w1e, b1, w2, b2, out):
    gb = g[...].astype(jnp.bfloat16)
    e = eat[...].astype(jnp.bfloat16)
    h = jnp.dot(gb, w1os[...], preferred_element_type=jnp.float32)
    h = h + lax.dot_general(e, w1e[...], (((0,), (0,)), ((), ())),
                            preferred_element_type=jnp.float32)
    h = jnp.maximum(h + b1[...], 0.0).astype(jnp.bfloat16)
    out[...] = jnp.dot(h, w2[...], preferred_element_type=jnp.float32) + b2[...]


@jax.jit
def _tc_mlp(g, eat, w1os, w1e, b1, w2, b2):
    grid = (EG // BE,)
    full = lambda shape: pl.BlockSpec(shape, lambda i: (0, 0))
    return pl.pallas_call(
        _mlp_body,
        grid=grid,
        in_specs=[
            pl.BlockSpec((BE, D_PAIR), lambda i: (i, 0)),
            pl.BlockSpec((D_EDGE, BE), lambda i: (0, i)),
            full((D_PAIR, D_HIDDEN)),
            full((D_EDGE, D_HIDDEN)),
            full((1, D_HIDDEN)),
            full((D_HIDDEN, D_FEAT)),
            full((1, D_FEAT)),
        ],
        out_specs=pl.BlockSpec((BE, D_FEAT), lambda i: (i, 0)),
        out_shape=jax.ShapeDtypeStruct((EG, D_FEAT), jnp.float32),
    )(g, eat, w1os, w1e, b1, w2, b2)


BN = 2048


def _combine_body(p0, p1, p2, p3, p4, c, out):
    s = p0[0] + p0[1]
    for p in (p1, p2, p3, p4):
        s = s + p[0] + p[1]
    i = pl.program_id(0)
    cblk = c[:, pl.ds(i * BN, BN)]
    ct = jnp.transpose(cblk)
    cc = jnp.maximum(ct[:, 0:1] + ct[:, 1:2], 1.0)
    out[...] = s / cc


@jax.jit
def _tc_combine(partials, counts):
    pspec = pl.BlockSpec((NC, BN, D_FEAT), lambda i: (0, i, 0))
    cspec = pl.BlockSpec((NC, N_PAD), lambda i: (0, 0))
    return pl.pallas_call(
        _combine_body,
        grid=(pl.cdiv(N_NODES, BN),),
        in_specs=[pspec] * NG + [cspec],
        out_specs=pl.BlockSpec((BN, D_FEAT), lambda i: (i, 0)),
        out_shape=jax.ShapeDtypeStruct((N_NODES, D_FEAT), jnp.float32),
    )(*partials, counts)


def kernel(x, edge_index, edge_attr, W1, b1, W2, b2):
    dst = edge_index[1].astype(jnp.int32)
    src = edge_index[0].astype(jnp.int32)
    dst5 = dst.reshape(NG, NW, NCHG, CH)
    src5 = src.reshape(NG, NW, NCHG, CH)
    eat = edge_attr.T

    w1os = jnp.concatenate(
        [W1[:D_FEAT], W1[D_FEAT + D_EDGE:]], axis=0).astype(jnp.bfloat16)
    w1e = W1[D_FEAT:D_FEAT + D_EDGE].astype(jnp.bfloat16)
    b1r = b1.reshape(1, D_HIDDEN)
    w2 = W2.astype(jnp.bfloat16)
    b2r = b2.reshape(1, D_FEAT)

    zeros_nm = jnp.zeros((N_PAD, D_FEAT), jnp.float32)

    partials = []
    for g in range(NG):
        g4 = _sc_gather(x, dst5[g], src5[g])
        msg = _tc_mlp(g4.reshape(EG, D_PAIR),
                      eat[:, g * EG:(g + 1) * EG],
                      w1os, w1e, b1r, w2, b2r)
        partials.append(
            _sc_scatter(msg.reshape(NW, NCHG, CH, D_FEAT), dst5[g], zeros_nm))

    counts = _sc_count(dst.reshape(NW, NCHF, CH))
    return _tc_combine(partials, counts)

# --- scband reference (transcript-rebuilt; emitter-appended) ---
"""Pipeline reference for scband-custom-gnn-79517024518613 (READ-ONLY COPY).

The authoritative reference and input builder live on the scoring server;
editing this copy changes nothing except your own understanding.
"""

import jax, jax.numpy as jnp
import numpy as np

N_NODES = 10000
N_EDGES = 320000
D_FEAT = 128
D_EDGE = 16
D_HIDDEN = 512


def setup_inputs(seed: int = 0) -> dict:
    key = jax.random.key(seed)
    ks = jax.random.split(key, 8)
    x = jax.random.normal(ks[0], (N_NODES, D_FEAT), dtype=jnp.float32)
    edge_index = jax.random.randint(ks[1], (2, N_EDGES), 0, N_NODES, dtype=jnp.int64)
    edge_attr = jax.random.normal(ks[2], (N_EDGES, D_EDGE), dtype=jnp.float32)
    d_in = 2 * D_FEAT + D_EDGE
    W1 = jax.random.normal(ks[3], (d_in, D_HIDDEN), dtype=jnp.float32) * (1.0 / np.sqrt(d_in))
    b1 = jnp.zeros((D_HIDDEN,), dtype=jnp.float32)
    W2 = jax.random.normal(ks[4], (D_HIDDEN, D_FEAT), dtype=jnp.float32) * (1.0 / np.sqrt(D_HIDDEN))
    b2 = jnp.zeros((D_FEAT,), dtype=jnp.float32)
    return {"x": x, "edge_index": edge_index, "edge_attr": edge_attr,
            "W1": W1, "b1": b1, "W2": W2, "b2": b2}


def reference(x, edge_index, edge_attr, W1, b1, W2, b2):
    # One scene-graph convolution layer (CustomGraphConv inside CustomGNN):
    # for each edge (obj -> subj with predicate feats), build the triplet vector
    # [obj_feats, pred_feats, subj_feats], run it through an MLP (FCN with one
    # hidden layer of 512 + ReLU), then avg-pool the per-edge messages back onto
    # the central (destination/object) node.
    src = edge_index[0]
    dst = edge_index[1]
    obj_feats = jnp.take(x, dst, axis=0)          # [E, D_FEAT] central object node
    sub_feats = jnp.take(x, src, axis=0)          # [E, D_FEAT] subject node
    triplet = jnp.concatenate([obj_feats, edge_attr, sub_feats], axis=1)  # [E, 2*D_FEAT+D_EDGE]
    h = jax.nn.relu(triplet @ W1 + b1)            # [E, D_HIDDEN]
    msg = h @ W2 + b2                             # [E, D_FEAT]
    # avg pooling of edge messages per destination node
    summed = jax.ops.segment_sum(msg, dst, num_segments=N_NODES)
    counts = jax.ops.segment_sum(jnp.ones((msg.shape[0],), dtype=jnp.float32), dst, num_segments=N_NODES)
    counts = jnp.clip(counts, 1.0, None)
    out = summed / counts[:, None]                # [N_NODES, D_FEAT]
    return out

if __name__ == "__main__":
    import jax
    _d = setup_inputs()
    print(jax.jit(kernel)(*tuple(_d.values())))

</pallas_src>

<mosaic_0001>
#map = affine_map<(d0, d1) -> (0, 0)>
#map1 = affine_map<(d0, d1) -> (0, 0, 0)>
#map2 = affine_map<(d0, d1) -> (0, 0, 0, 0)>
module attributes {stable_mosaic.version = 14 : i64} {
  func.func @_gather_body(%arg0: i32, %arg1: i32, %arg2: memref<10000x128xf32, #tpu.memory_space<hbm>>, %arg3: memref<32x25x80xi32, #tpu.memory_space<hbm>>, %arg4: memref<32x25x80xi32, #tpu.memory_space<hbm>>, %arg5: memref<32x25x80x256xf32, #tpu.memory_space<hbm>>, %arg6: memref<25x80xi32, #tpu.memory_space<vmem>>, %arg7: memref<25x80xi32, #tpu.memory_space<vmem>>, %arg8: memref<80x128xf32, #tpu.memory_space<vmem>>, %arg9: memref<80x128xf32, #tpu.memory_space<vmem>>, %arg10: memref<80x128xf32, #tpu.memory_space<vmem>>, %arg11: memref<80x128xf32, #tpu.memory_space<vmem>>, %arg12: memref<!tpu.dma_semaphore, #tpu.memory_space<semaphore_mem>>, %arg13: memref<!tpu.dma_semaphore, #tpu.memory_space<semaphore_mem>>, %arg14: memref<!tpu.dma_semaphore, #tpu.memory_space<semaphore_mem>>, %arg15: memref<!tpu.dma_semaphore, #tpu.memory_space<semaphore_mem>>, %arg16: memref<!tpu.dma_semaphore, #tpu.memory_space<semaphore_mem>>, %arg17: memref<!tpu.dma_semaphore, #tpu.memory_space<semaphore_mem>>, %arg18: memref<!tpu.dma_semaphore, #tpu.memory_space<semaphore_mem>>, %arg19: memref<!tpu.dma_semaphore, #tpu.memory_space<semaphore_mem>>) attributes {dimension_semantics = [#tpu.dimension_semantics<core_parallel>, #tpu.dimension_semantics<subcore_parallel>], iteration_bounds = array<i64: 2, 16>, scalar_prefetch = 0 : i64, scratch_operands = 14 : i64, tpu.core_type = #tpu.core_type<sc_vector_subcore>, window_params = [{transform_indices = #map}, {transform_indices = #map1}, {transform_indices = #map1}, {transform_indices = #map2}]} {
    %mul3A = arith.constant 2 : i32
    %mul3A_0 = arith.muli %arg1, %mul3A : i32
    %add3A = arith.addi %mul3A_0, %arg0 : i32
    "tpu.region"() ({
      %run_scoped3A_33 = tpu.sem_alloc : memref<!tpu.dma_semaphore, #tpu.memory_space<semaphore_mem>>
      %dma_start3A_34 = arith.constant 0 : i32
      %dma_start3A_35 = arith.constant 0 : i32
      %dma_start3A_36 = tpu.memref_slice %arg3[%add3A, %dma_start3A_34, %dma_start3A_35] : memref<32x25x80xi32, #tpu.memory_space<hbm>> -> memref<1x25x80xi32, #tpu.memory_space<hbm>>
      %dma_start3A_37 = tpu.memref_squeeze %dma_start3A_36 : memref<1x25x80xi32, #tpu.memory_space<hbm>> -> memref<25x80xi32, #tpu.memory_space<hbm>>
      %dma_start3A_38 = arith.constant 0 : i32
      %dma_start3A_39 = arith.constant 0 : i32
      %dma_start3A_40 = tpu.memref_slice %arg3[%add3A, %dma_start3A_38, %dma_start3A_39] : memref<32x25x80xi32, #tpu.memory_space<hbm>> -> memref<1x25x80xi32, #tpu.memory_space<hbm>>
      %dma_start3A_41 = tpu.memref_squeeze %dma_start3A_40 : memref<1x25x80xi32, #tpu.memory_space<hbm>> -> memref<25x80xi32, #tpu.memory_space<hbm>>
      tpu.enqueue_dma source(%dma_start3A_41 : memref<25x80xi32, #tpu.memory_space<hbm>>) target(%arg6 : memref<25x80xi32, #tpu.memory_space<vmem>>) target_semaphore(%run_scoped3A_33 : memref<!tpu.dma_semaphore, #tpu.memory_space<semaphore_mem>>)
      %dma_wait3A_42 = arith.constant 0 : i32
      %dma_wait3A_43 = arith.constant 0 : i32
      %dma_wait3A_44 = tpu.memref_slice %arg3[%add3A, %dma_wait3A_42, %dma_wait3A_43] : memref<32x25x80xi32, #tpu.memory_space<hbm>> -> memref<1x25x80xi32, #tpu.memory_space<hbm>>
      %dma_wait3A_45 = tpu.memref_squeeze %dma_wait3A_44 : memref<1x25x80xi32, #tpu.memory_space<hbm>> -> memref<25x80xi32, #tpu.memory_space<hbm>>
      %dma_wait3A_46 = arith.constant 0 : i32
      %dma_wait3A_47 = arith.constant 0 : i32
      %dma_wait3A_48 = tpu.memref_slice %arg3[%add3A, %dma_wait3A_46, %dma_wait3A_47] : memref<32x25x80xi32, #tpu.memory_space<hbm>> -> memref<1x25x80xi32, #tpu.memory_space<hbm>>
      %dma_wait3A_49 = tpu.memref_squeeze %dma_wait3A_48 : memref<1x25x80xi32, #tpu.memory_space<hbm>> -> memref<25x80xi32, #tpu.memory_space<hbm>>
      tpu.wait_dma2 semaphore(%run_scoped3A_33 : memref<!tpu.dma_semaphore, #tpu.memory_space<semaphore_mem>>) src(%dma_wait3A_49 : memref<25x80xi32, #tpu.memory_space<hbm>>) dst(%arg6 : memref<25x80xi32, #tpu.memory_space<vmem>>)
      tpu.yield
    }) : () -> ()
    "tpu.region"() ({
      %run_scoped3A_33 = tpu.sem_alloc : memref<!tpu.dma_semaphore, #tpu.memory_space<semaphore_mem>>
      %dma_start3A_34 = arith.constant 0 : i32
      %dma_start3A_35 = arith.constant 0 : i32
      %dma_start3A_36 = tpu.memref_slice %arg4[%add3A, %dma_start3A_34, %dma_start3A_35] : memref<32x25x80xi32, #tpu.memory_space<hbm>> -> memref<1x25x80xi32, #tpu.memory_space<hbm>>
      %dma_start3A_37 = tpu.memref_squeeze %dma_start3A_36 : memref<1x25x80xi32, #tpu.memory_space<hbm>> -> memref<25x80xi32, #tpu.memory_space<hbm>>
      %dma_start3A_38 = arith.constant 0 : i32
      %dma_start3A_39 = arith.constant 0 : i32
      %dma_start3A_40 = tpu.memref_slice %arg4[%add3A, %dma_start3A_38, %dma_start3A_39] : memref<32x25x80xi32, #tpu.memory_space<hbm>> -> memref<1x25x80xi32, #tpu.memory_space<hbm>>
      %dma_start3A_41 = tpu.memref_squeeze %dma_start3A_40 : memref<1x25x80xi32, #tpu.memory_space<hbm>> -> memref<25x80xi32, #tpu.memory_space<hbm>>
      tpu.enqueue_dma source(%dma_start3A_41 : memref<25x80xi32, #tpu.memory_space<hbm>>) target(%arg7 : memref<25x80xi32, #tpu.memory_space<vmem>>) target_semaphore(%run_scoped3A_33 : memref<!tpu.dma_semaphore, #tpu.memory_space<semaphore_mem>>)
      %dma_wait3A_42 = arith.constant 0 : i32
      %dma_wait3A_43 = arith.constant 0 : i32
      %dma_wait3A_44 = tpu.memref_slice %arg4[%add3A, %dma_wait3A_42, %dma_wait3A_43] : memref<32x25x80xi32, #tpu.memory_space<hbm>> -> memref<1x25x80xi32, #tpu.memory_space<hbm>>
      %dma_wait3A_45 = tpu.memref_squeeze %dma_wait3A_44 : memref<1x25x80xi32, #tpu.memory_space<hbm>> -> memref<25x80xi32, #tpu.memory_space<hbm>>
      %dma_wait3A_46 = arith.constant 0 : i32
      %dma_wait3A_47 = arith.constant 0 : i32
      %dma_wait3A_48 = tpu.memref_slice %arg4[%add3A, %dma_wait3A_46, %dma_wait3A_47] : memref<32x25x80xi32, #tpu.memory_space<hbm>> -> memref<1x25x80xi32, #tpu.memory_space<hbm>>
      %dma_wait3A_49 = tpu.memref_squeeze %dma_wait3A_48 : memref<1x25x80xi32, #tpu.memory_space<hbm>> -> memref<25x80xi32, #tpu.memory_space<hbm>>
      tpu.wait_dma2 semaphore(%run_scoped3A_33 : memref<!tpu.dma_semaphore, #tpu.memory_space<semaphore_mem>>) src(%dma_wait3A_49 : memref<25x80xi32, #tpu.memory_space<hbm>>) dst(%arg7 : memref<25x80xi32, #tpu.memory_space<vmem>>)
      tpu.yield
    }) : () -> ()
    %dma_start3A = arith.constant 0 : i32
    %dma_start3A_1 = arith.constant 0 : i32
    %dma_start3A_2 = tpu.memref_slice %arg6[%dma_start3A, %dma_start3A_1] : memref<25x80xi32, #tpu.memory_space<vmem>> -> memref<1x80xi32, #tpu.memory_space<vmem>>
    %dma_start3A_3 = tpu.memref_squeeze %dma_start3A_2 : memref<1x80xi32, #tpu.memory_space<vmem>> -> memref<80xi32, #tpu.memory_space<vmem>>
    %dma_start3A_4 = arith.constant 0 : i32
    %dma_start3A_5 = arith.constant 0 : i32
    %dma_start3A_6 = tpu.memref_slice %arg2[%dma_start3A_4, %dma_start3A_5] : memref<10000x128xf32, #tpu.memory_space<hbm>> -> memref<10000x128xf32, #tpu.memory_space<hbm>>
    tpu.enqueue_indirect_dma source(%dma_start3A_6 : memref<10000x128xf32, #tpu.memory_space<hbm>>) target(%arg8 : memref<80x128xf32, #tpu.memory_space<vmem>>) offsets(%dma_start3A_3 : memref<80xi32, #tpu.memory_space<vmem>>) semaphore(%arg12 : memref<!tpu.dma_semaphore, #tpu.memory_space<semaphore_mem>>)
    %dma_start3A_7 = arith.constant 0 : i32
    %dma_start3A_8 = arith.constant 0 : i32
    %dma_start3A_9 = tpu.memref_slice %arg7[%dma_start3A_7, %dma_start3A_8] : memref<25x80xi32, #tpu.memory_space<vmem>> -> memref<1x80xi32, #tpu.memory_space<vmem>>
    %dma_start3A_10 = tpu.memref_squeeze %dma_start3A_9 : memref<1x80xi32, #tpu.memory_space<vmem>> -> memref<80xi32, #tpu.memory_space<vmem>>
    %dma_start3A_11 = arith.constant 0 : i32
    %dma_start3A_12 = arith.constant 0 : i32
    %dma_start3A_13 = tpu.memref_slice %arg2[%dma_start3A_11, %dma_start3A_12] : memref<10000x128xf32, #tpu.memory_space<hbm>> -> memref<10000x128xf32, #tpu.memory_space<hbm>>
    tpu.enqueue_indirect_dma source(%dma_start3A_13 : memref<10000x128xf32, #tpu.memory_space<hbm>>) target(%arg9 : memref<80x128xf32, #tpu.memory_space<vmem>>) offsets(%dma_start3A_10 : memref<80xi32, #tpu.memory_space<vmem>>) semaphore(%arg13 : memref<!tpu.dma_semaphore, #tpu.memory_space<semaphore_mem>>)
    %scan3A = arith.constant 0 : i32
    %scan3A_14 = arith.constant 0 : i32
    %scan3A_15 = arith.constant 12 : i32
    %scan3A_16 = arith.addi %scan3A_14, %scan3A_15 : i32
    %scan3A_17 = arith.constant 1 : i32
    scf.for %scan3A_33 = %scan3A_14 to %scan3A_16 step %scan3A_17  : i32 {
      %mul3A_34 = arith.constant 2 : i32
      %mul3A_35 = arith.muli %mul3A_34, %scan3A_33 : i32
      %add3A_36 = arith.constant 1 : i32
      %add3A_37 = arith.addi %mul3A_35, %add3A_36 : i32
      %add3A_38 = arith.constant 2 : i32
      %add3A_39 = arith.addi %mul3A_35, %add3A_38 : i32
      %dma_wait3A_40 = arith.constant 0 : i32
      %dma_wait3A_41 = tpu.memref_slice %arg6[%mul3A_35, %dma_wait3A_40] : memref<25x80xi32, #tpu.memory_space<vmem>> -> memref<1x80xi32, #tpu.memory_space<vmem>>
      %dma_wait3A_42 = tpu.memref_squeeze %dma_wait3A_41 : memref<1x80xi32, #tpu.memory_space<vmem>> -> memref<80xi32, #tpu.memory_space<vmem>>
      %dma_wait3A_43 = arith.constant 0 : i32
      %dma_wait3A_44 = arith.constant 0 : i32
      %dma_wait3A_45 = tpu.memref_slice %arg2[%dma_wait3A_43, %dma_wait3A_44] : memref<10000x128xf32, #tpu.memory_space<hbm>> -> memref<10000x128xf32, #tpu.memory_space<hbm>>
      tpu.wait_indirect_dma semaphore(%arg12 : memref<!tpu.dma_semaphore, #tpu.memory_space<semaphore_mem>>) src(%dma_wait3A_45 : memref<10000x128xf32, #tpu.memory_space<hbm>>) dst(%arg8 : memref<80x128xf32, #tpu.memory_space<vmem>>)
      %dma_wait3A_46 = arith.constant 0 : i32
      %dma_wait3A_47 = tpu.memref_slice %arg7[%mul3A_35, %dma_wait3A_46] : memref<25x80xi32, #tpu.memory_space<vmem>> -> memref<1x80xi32, #tpu.memory_space<vmem>>
      %dma_wait3A_48 = tpu.memref_squeeze %dma_wait3A_47 : memref<1x80xi32, #tpu.memory_space<vmem>> -> memref<80xi32, #tpu.memory_space<vmem>>
      %dma_wait3A_49 = arith.constant 0 : i32
      %dma_wait3A_50 = arith.constant 0 : i32
      %dma_wait3A_51 = tpu.memref_slice %arg2[%dma_wait3A_49, %dma_wait3A_50] : memref<10000x128xf32, #tpu.memory_space<hbm>> -> memref<10000x128xf32, #tpu.memory_space<hbm>>
      tpu.wait_indirect_dma semaphore(%arg13 : memref<!tpu.dma_semaphore, #tpu.memory_space<semaphore_mem>>) src(%dma_wait3A_51 : memref<10000x128xf32, #tpu.memory_space<hbm>>) dst(%arg9 : memref<80x128xf32, #tpu.memory_space<vmem>>)
      %dma_start3A_52 = arith.constant 0 : i32
      %dma_start3A_53 = tpu.memref_slice %arg6[%add3A_37, %dma_start3A_52] : memref<25x80xi32, #tpu.memory_space<vmem>> -> memref<1x80xi32, #tpu.memory_space<vmem>>
      %dma_start3A_54 = tpu.memref_squeeze %dma_start3A_53 : memref<1x80xi32, #tpu.memory_space<vmem>> -> memref<80xi32, #tpu.memory_space<vmem>>
      %dma_start3A_55 = arith.constant 0 : i32
      %dma_start3A_56 = arith.constant 0 : i32
      %dma_start3A_57 = tpu.memref_slice %arg2[%dma_start3A_55, %dma_start3A_56] : memref<10000x128xf32, #tpu.memory_space<hbm>> -> memref<10000x128xf32, #tpu.memory_space<hbm>>
      tpu.enqueue_indirect_dma source(%dma_start3A_57 : memref<10000x128xf32, #tpu.memory_space<hbm>>) target(%arg10 : memref<80x128xf32, #tpu.memory_space<vmem>>) offsets(%dma_start3A_54 : memref<80xi32, #tpu.memory_space<vmem>>) semaphore(%arg14 : memref<!tpu.dma_semaphore, #tpu.memory_space<semaphore_mem>>)
      %dma_start3A_58 = arith.constant 0 : i32
      %dma_start3A_59 = tpu.memref_slice %arg7[%add3A_37, %dma_start3A_58] : memref<25x80xi32, #tpu.memory_space<vmem>> -> memref<1x80xi32, #tpu.memory_space<vmem>>
      %dma_start3A_60 = tpu.memref_squeeze %dma_start3A_59 : memref<1x80xi32, #tpu.memory_space<vmem>> -> memref<80xi32, #tpu.memory_space<vmem>>
      %dma_start3A_61 = arith.constant 0 : i32
      %dma_start3A_62 = arith.constant 0 : i32
      %dma_start3A_63 = tpu.memref_slice %arg2[%dma_start3A_61, %dma_start3A_62] : memref<10000x128xf32, #tpu.memory_space<hbm>> -> memref<10000x128xf32, #tpu.memory_space<hbm>>
      tpu.enqueue_indirect_dma source(%dma_start3A_63 : memref<10000x128xf32, #tpu.memory_space<hbm>>) target(%arg11 : memref<80x128xf32, #tpu.memory_space<vmem>>) offsets(%dma_start3A_60 : memref<80xi32, #tpu.memory_space<vmem>>) semaphore(%arg15 : memref<!tpu.dma_semaphore, #tpu.memory_space<semaphore_mem>>)
      %dma_start3A_64 = arith.constant 0 : i32
      %dma_start3A_65 = arith.constant 0 : i32
      %dma_start3A_66 = tpu.memref_slice %arg5[%add3A, %mul3A_35, %dma_start3A_64, %dma_start3A_65] : memref<32x25x80x256xf32, #tpu.memory_space<hbm>> -> memref<1x1x80x128xf32, #tpu.memory_space<hbm>>
      %dma_start3A_67 = tpu.memref_squeeze %dma_start3A_66 : memref<1x1x80x128xf32, #tpu.memory_space<hbm>> -> memref<80x128xf32, #tpu.memory_space<hbm>>
      %dma_start3A_68 = arith.constant 0 : i32
      %dma_start3A_69 = arith.constant 0 : i32
      %dma_start3A_70 = tpu.memref_slice %arg5[%add3A, %mul3A_35, %dma_start3A_68, %dma_start3A_69] : memref<32x25x80x256xf32, #tpu.memory_space<hbm>> -> memref<1x1x80x128xf32, #tpu.memory_space<hbm>>
      %dma_start3A_71 = tpu.memref_squeeze %dma_start3A_70 : memref<1x1x80x128xf32, #tpu.memory_space<hbm>> -> memref<80x128xf32, #tpu.memory_space<hbm>>
      tpu.enqueue_dma source(%arg8 : memref<80x128xf32, #tpu.memory_space<vmem>>) target(%dma_start3A_71 : memref<80x128xf32, #tpu.memory_space<hbm>>) target_semaphore(%arg16 : memref<!tpu.dma_semaphore, #tpu.memory_space<semaphore_mem>>)
      %dma_start3A_72 = arith.constant 0 : i32
      %dma_start3A_73 = arith.constant 128 : i32
      %dma_start3A_74 = tpu.memref_slice %arg5[%add3A, %mul3A_35, %dma_start3A_72, %dma_start3A_73] : memref<32x25x80x256xf32, #tpu.memory_space<hbm>> -> memref<1x1x80x128xf32, #tpu.memory_space<hbm>>
      %dma_start3A_75 = tpu.memref_squeeze %dma_start3A_74 : memref<1x1x80x128xf32, #tpu.memory_space<hbm>> -> memref<80x128xf32, #tpu.memory_space<hbm>>
      %dma_start3A_76 = arith.constant 0 : i32
      %dma_start3A_77 = arith.constant 128 : i32
      %dma_start3A_78 = tpu.memref_slice %arg5[%add3A, %mul3A_35, %dma_start3A_76, %dma_start3A_77] : memref<32x25x80x256xf32, #tpu.memory_space<hbm>> -> memref<1x1x80x128xf32, #tpu.memory_space<hbm>>
      %dma_start3A_79 = tpu.memref_squeeze %dma_start3A_78 : memref<1x1x80x128xf32, #tpu.memory_space<hbm>> -> memref<80x128xf32, #tpu.memory_space<hbm>>
      tpu.enqueue_dma source(%arg9 : memref<80x128xf32, #tpu.memory_space<vmem>>) target(%dma_start3A_79 : memref<80x128xf32, #tpu.memory_space<hbm>>) target_semaphore(%arg17 : memref<!tpu.dma_semaphore, #tpu.memory_space<semaphore_mem>>)
      %dma_wait3A_80 = arith.constant 0 : i32
      %dma_wait3A_81 = tpu.memref_slice %arg6[%add3A_37, %dma_wait3A_80] : memref<25x80xi32, #tpu.memory_space<vmem>> -> memref<1x80xi32, #tpu.memory_space<vmem>>
      %dma_wait3A_82 = tpu.memref_squeeze %dma_wait3A_81 : memref<1x80xi32, #tpu.memory_space<vmem>> -> memref<80xi32, #tpu.memory_space<vmem>>
      %dma_wait3A_83 = arith.constant 0 : i32
      %dma_wait3A_84 = arith.constant 0 : i32
      %dma_wait3A_85 = tpu.memref_slice %arg2[%dma_wait3A_83, %dma_wait3A_84] : memref<10000x128xf32, #tpu.memory_space<hbm>> -> memref<10000x128xf32, #tpu.memory_space<hbm>>
      tpu.wait_indirect_dma semaphore(%arg14 : memref<!tpu.dma_semaphore, #tpu.memory_space<semaphore_mem>>) src(%dma_wait3A_85 : memref<10000x128xf32, #tpu.memory_space<hbm>>) dst(%arg10 : memref<80x128xf32, #tpu.memory_space<vmem>>)
      %dma_wait3A_86 = arith.constant 0 : i32
      %dma_wait3A_87 = tpu.memref_slice %arg7[%add3A_37, %dma_wait3A_86] : memref<25x80xi32, #tpu.memory_space<vmem>> -> memref<1x80xi32, #tpu.memory_space<vmem>>
      %dma_wait3A_88 = tpu.memref_squeeze %dma_wait3A_87 : memref<1x80xi32, #tpu.memory_space<vmem>> -> memref<80xi32, #tpu.memory_space<vmem>>
      %dma_wait3A_89 = arith.constant 0 : i32
      %dma_wait3A_90 = arith.constant 0 : i32
      %dma_wait3A_91 = tpu.memref_slice %arg2[%dma_wait3A_89, %dma_wait3A_90] : memref<10000x128xf32, #tpu.memory_space<hbm>> -> memref<10000x128xf32, #tpu.memory_space<hbm>>
      tpu.wait_indirect_dma semaphore(%arg15 : memref<!tpu.dma_semaphore, #tpu.memory_space<semaphore_mem>>) src(%dma_wait3A_91 : memref<10000x128xf32, #tpu.memory_space<hbm>>) dst(%arg11 : memref<80x128xf32, #tpu.memory_space<vmem>>)
      %dma_start3A_92 = arith.constant 0 : i32
      %dma_start3A_93 = arith.constant 0 : i32
      %dma_start3A_94 = tpu.memref_slice %arg5[%add3A, %add3A_37, %dma_start3A_92, %dma_start3A_93] : memref<32x25x80x256xf32, #tpu.memory_space<hbm>> -> memref<1x1x80x128xf32, #tpu.memory_space<hbm>>
      %dma_start3A_95 = tpu.memref_squeeze %dma_start3A_94 : memref<1x1x80x128xf32, #tpu.memory_space<hbm>> -> memref<80x128xf32, #tpu.memory_space<hbm>>
      %dma_start3A_96 = arith.constant 0 : i32
      %dma_start3A_97 = arith.constant 0 : i32
      %dma_start3A_98 = tpu.memref_slice %arg5[%add3A, %add3A_37, %dma_start3A_96, %dma_start3A_97] : memref<32x25x80x256xf32, #tpu.memory_space<hbm>> -> memref<1x1x80x128xf32, #tpu.memory_space<hbm>>
      %dma_start3A_99 = tpu.memref_squeeze %dma_start3A_98 : memref<1x1x80x128xf32, #tpu.memory_space<hbm>> -> memref<80x128xf32, #tpu.memory_space<hbm>>
      tpu.enqueue_dma source(%arg10 : memref<80x128xf32, #tpu.memory_space<vmem>>) target(%dma_start3A_99 : memref<80x128xf32, #tpu.memory_space<hbm>>) target_semaphore(%arg18 : memref<!tpu.dma_semaphore, #tpu.memory_space<semaphore_mem>>)
      %dma_start3A_100 = arith.constant 0 : i32
      %dma_start3A_101 = arith.constant 128 : i32
      %dma_start3A_102 = tpu.memref_slice %arg5[%add3A, %add3A_37, %dma_start3A_100, %dma_start3A_101] : memref<32x25x80x256xf32, #tpu.memory_space<hbm>> -> memref<1x1x80x128xf32, #tpu.memory_space<hbm>>
      %dma_start3A_103 = tpu.memref_squeeze %dma_start3A_102 : memref<1x1x80x128xf32, #tpu.memory_space<hbm>> -> memref<80x128xf32, #tpu.memory_space<hbm>>
      %dma_start3A_104 = arith.constant 0 : i32
      %dma_start3A_105 = arith.constant 128 : i32
      %dma_start3A_106 = tpu.memref_slice %arg5[%add3A, %add3A_37, %dma_start3A_104, %dma_start3A_105] : memref<32x25x80x256xf32, #tpu.memory_space<hbm>> -> memref<1x1x80x128xf32, #tpu.memory_space<hbm>>
      %dma_start3A_107 = tpu.memref_squeeze %dma_start3A_106 : memref<1x1x80x128xf32, #tpu.memory_space<hbm>> -> memref<80x128xf32, #tpu.memory_space<hbm>>
      tpu.enqueue_dma source(%arg11 : memref<80x128xf32, #tpu.memory_space<vmem>>) target(%dma_start3A_107 : memref<80x128xf32, #tpu.memory_space<hbm>>) target_semaphore(%arg19 : memref<!tpu.dma_semaphore, #tpu.memory_space<semaphore_mem>>)
      %dma_wait3A_108 = arith.constant 0 : i32
      %dma_wait3A_109 = arith.constant 0 : i32
      %dma_wait3A_110 = tpu.memref_slice %arg5[%add3A, %mul3A_35, %dma_wait3A_108, %dma_wait3A_109] : memref<32x25x80x256xf32, #tpu.memory_space<hbm>> -> memref<1x1x80x128xf32, #tpu.memory_space<hbm>>
      %dma_wait3A_111 = tpu.memref_squeeze %dma_wait3A_110 : memref<1x1x80x128xf32, #tpu.memory_space<hbm>> -> memref<80x128xf32, #tpu.memory_space<hbm>>
      %dma_wait3A_112 = arith.constant 0 : i32
      %dma_wait3A_113 = arith.constant 0 : i32
      %dma_wait3A_114 = tpu.memref_slice %arg5[%add3A, %mul3A_35, %dma_wait3A_112, %dma_wait3A_113] : memref<32x25x80x256xf32, #tpu.memory_space<hbm>> -> memref<1x1x80x128xf32, #tpu.memory_space<hbm>>
      %dma_wait3A_115 = tpu.memref_squeeze %dma_wait3A_114 : memref<1x1x80x128xf32, #tpu.memory_space<hbm>> -> memref<80x128xf32, #tpu.memory_space<hbm>>
      tpu.wait_dma2 semaphore(%arg16 : memref<!tpu.dma_semaphore, #tpu.memory_space<semaphore_mem>>) src(%arg8 : memref<80x128xf32, #tpu.memory_space<vmem>>) dst(%dma_wait3A_115 : memref<80x128xf32, #tpu.memory_space<hbm>>)
      %dma_wait3A_116 = arith.constant 0 : i32
      %dma_wait3A_117 = arith.constant 128 : i32
      %dma_wait3A_118 = tpu.memref_slice %arg5[%add3A, %mul3A_35, %dma_wait3A_116, %dma_wait3A_117] : memref<32x25x80x256xf32, #tpu.memory_space<hbm>> -> memref<1x1x80x128xf32, #tpu.memory_space<hbm>>
      %dma_wait3A_119 = tpu.memref_squeeze %dma_wait3A_118 : memref<1x1x80x128xf32, #tpu.memory_space<hbm>> -> memref<80x128xf32, #tpu.memory_space<hbm>>
      %dma_wait3A_120 = arith.constant 0 : i32
      %dma_wait3A_121 = arith.constant 128 : i32
      %dma_wait3A_122 = tpu.memref_slice %arg5[%add3A, %mul3A_35, %dma_wait3A_120, %dma_wait3A_121] : memref<32x25x80x256xf32, #tpu.memory_space<hbm>> -> memref<1x1x80x128xf32, #tpu.memory_space<hbm>>
      %dma_wait3A_123 = tpu.memref_squeeze %dma_wait3A_122 : memref<1x1x80x128xf32, #tpu.memory_space<hbm>> -> memref<80x128xf32, #tpu.memory_space<hbm>>
      tpu.wait_dma2 semaphore(%arg17 : memref<!tpu.dma_semaphore, #tpu.memory_space<semaphore_mem>>) src(%arg9 : memref<80x128xf32, #tpu.memory_space<vmem>>) dst(%dma_wait3A_123 : memref<80x128xf32, #tpu.memory_space<hbm>>)
      %dma_start3A_124 = arith.constant 0 : i32
      %dma_start3A_125 = tpu.memref_slice %arg6[%add3A_39, %dma_start3A_124] : memref<25x80xi32, #tpu.memory_space<vmem>> -> memref<1x80xi32, #tpu.memory_space<vmem>>
      %dma_start3A_126 = tpu.memref_squeeze %dma_start3A_125 : memref<1x80xi32, #tpu.memory_space<vmem>> -> memref<80xi32, #tpu.memory_space<vmem>>
      %dma_start3A_127 = arith.constant 0 : i32
      %dma_start3A_128 = arith.constant 0 : i32
      %dma_start3A_129 = tpu.memref_slice %arg2[%dma_start3A_127, %dma_start3A_128] : memref<10000x128xf32, #tpu.memory_space<hbm>> -> memref<10000x128xf32, #tpu.memory_space<hbm>>
      tpu.enqueue_indirect_dma source(%dma_start3A_129 : memref<10000x128xf32, #tpu.memory_space<hbm>>) target(%arg8 : memref<80x128xf32, #tpu.memory_space<vmem>>) offsets(%dma_start3A_126 : memref<80xi32, #tpu.memory_space<vmem>>) semaphore(%arg12 : memref<!tpu.dma_semaphore, #tpu.memory_space<semaphore_mem>>)
      %dma_start3A_130 = arith.constant 0 : i32
      %dma_start3A_131 = tpu.memref_slice %arg7[%add3A_39, %dma_start3A_130] : memref<25x80xi32, #tpu.memory_space<vmem>> -> memref<1x80xi32, #tpu.memory_space<vmem>>
      %dma_start3A_132 = tpu.memref_squeeze %dma_start3A_131 : memref<1x80xi32, #tpu.memory_space<vmem>> -> memref<80xi32, #tpu.memory_space<vmem>>
      %dma_start3A_133 = arith.constant 0 : i32
      %dma_start3A_134 = arith.constant 0 : i32
      %dma_start3A_135 = tpu.memref_slice %arg2[%dma_start3A_133, %dma_start3A_134] : memref<10000x128xf32, #tpu.memory_space<hbm>> -> memref<10000x128xf32, #tpu.memory_space<hbm>>
      tpu.enqueue_indirect_dma source(%dma_start3A_135 : memref<10000x128xf32, #tpu.memory_space<hbm>>) target(%arg9 : memref<80x128xf32, #tpu.memory_space<vmem>>) offsets(%dma_start3A_132 : memref<80xi32, #tpu.memory_space<vmem>>) semaphore(%arg13 : memref<!tpu.dma_semaphore, #tpu.memory_space<semaphore_mem>>)
      %dma_wait3A_136 = arith.constant 0 : i32
      %dma_wait3A_137 = arith.constant 0 : i32
      %dma_wait3A_138 = tpu.memref_slice %arg5[%add3A, %add3A_37, %dma_wait3A_136, %dma_wait3A_137] : memref<32x25x80x256xf32, #tpu.memory_space<hbm>> -> memref<1x1x80x128xf32, #tpu.memory_space<hbm>>
      %dma_wait3A_139 = tpu.memref_squeeze %dma_wait3A_138 : memref<1x1x80x128xf32, #tpu.memory_space<hbm>> -> memref<80x128xf32, #tpu.memory_space<hbm>>
      %dma_wait3A_140 = arith.constant 0 : i32
      %dma_wait3A_141 = arith.constant 0 : i32
      %dma_wait3A_142 = tpu.memref_slice %arg5[%add3A, %add3A_37, %dma_wait3A_140, %dma_wait3A_141] : memref<32x25x80x256xf32, #tpu.memory_space<hbm>> -> memref<1x1x80x128xf32, #tpu.memory_space<hbm>>
      %dma_wait3A_143 = tpu.memref_squeeze %dma_wait3A_142 : memref<1x1x80x128xf32, #tpu.memory_space<hbm>> -> memref<80x128xf32, #tpu.memory_space<hbm>>
      tpu.wait_dma2 semaphore(%arg18 : memref<!tpu.dma_semaphore, #tpu.memory_space<semaphore_mem>>) src(%arg10 : memref<80x128xf32, #tpu.memory_space<vmem>>) dst(%dma_wait3A_143 : memref<80x128xf32, #tpu.memory_space<hbm>>)
      %dma_wait3A_144 = arith.constant 0 : i32
      %dma_wait3A_145 = arith.constant 128 : i32
      %dma_wait3A_146 = tpu.memref_slice %arg5[%add3A, %add3A_37, %dma_wait3A_144, %dma_wait3A_145] : memref<32x25x80x256xf32, #tpu.memory_space<hbm>> -> memref<1x1x80x128xf32, #tpu.memory_space<hbm>>
      %dma_wait3A_147 = tpu.memref_squeeze %dma_wait3A_146 : memref<1x1x80x128xf32, #tpu.memory_space<hbm>> -> memref<80x128xf32, #tpu.memory_space<hbm>>
      %dma_wait3A_148 = arith.constant 0 : i32
      %dma_wait3A_149 = arith.constant 128 : i32
      %dma_wait3A_150 = tpu.memref_slice %arg5[%add3A, %add3A_37, %dma_wait3A_148, %dma_wait3A_149] : memref<32x25x80x256xf32, #tpu.memory_space<hbm>> -> memref<1x1x80x128xf32, #tpu.memory_space<hbm>>
      %dma_wait3A_151 = tpu.memref_squeeze %dma_wait3A_150 : memref<1x1x80x128xf32, #tpu.memory_space<hbm>> -> memref<80x128xf32, #tpu.memory_space<hbm>>
      tpu.wait_dma2 semaphore(%arg19 : memref<!tpu.dma_semaphore, #tpu.memory_space<semaphore_mem>>) src(%arg11 : memref<80x128xf32, #tpu.memory_space<vmem>>) dst(%dma_wait3A_151 : memref<80x128xf32, #tpu.memory_space<hbm>>)
    }
    %scan3A_18 = arith.constant 12 : i32
    %dma_wait3A = arith.constant 24 : i32
    %dma_wait3A_19 = arith.constant 0 : i32
    %dma_wait3A_20 = tpu.memref_slice %arg6[%dma_wait3A, %dma_wait3A_19] : memref<25x80xi32, #tpu.memory_space<vmem>> -> memref<1x80xi32, #tpu.memory_space<vmem>>
    %dma_wait3A_21 = tpu.memref_squeeze %dma_wait3A_20 : memref<1x80xi32, #tpu.memory_space<vmem>> -> memref<80xi32, #tpu.memory_space<vmem>>
    %dma_wait3A_22 = arith.constant 0 : i32
    %dma_wait3A_23 = arith.constant 0 : i32
    %dma_wait3A_24 = tpu.memref_slice %arg2[%dma_wait3A_22, %dma_wait3A_23] : memref<10000x128xf32, #tpu.memory_space<hbm>> -> memref<10000x128xf32, #tpu.memory_space<hbm>>
    tpu.wait_indirect_dma semaphore(%arg12 : memref<!tpu.dma_semaphore, #tpu.memory_space<semaphore_mem>>) src(%dma_wait3A_24 : memref<10000x128xf32, #tpu.memory_space<hbm>>) dst(%arg8 : memref<80x128xf32, #tpu.memory_space<vmem>>)
    %dma_wait3A_25 = arith.constant 24 : i32
    %dma_wait3A_26 = arith.constant 0 : i32
    %dma_wait3A_27 = tpu.memref_slice %arg7[%dma_wait3A_25, %dma_wait3A_26] : memref<25x80xi32, #tpu.memory_space<vmem>> -> memref<1x80xi32, #tpu.memory_space<vmem>>
    %dma_wait3A_28 = tpu.memref_squeeze %dma_wait3A_27 : memref<1x80xi32, #tpu.memory_space<vmem>> -> memref<80xi32, #tpu.memory_space<vmem>>
    %dma_wait3A_29 = arith.constant 0 : i32
    %dma_wait3A_30 = arith.constant 0 : i32
    %dma_wait3A_31 = tpu.memref_slice %arg2[%dma_wait3A_29, %dma_wait3A_30] : memref<10000x128xf32, #tpu.memory_space<hbm>> -> memref<10000x128xf32, #tpu.memory_space<hbm>>
    tpu.wait_indirect_dma semaphore(%arg13 : memref<!tpu.dma_semaphore, #tpu.memory_space<semaphore_mem>>) src(%dma_wait3A_31 : memref<10000x128xf32, #tpu.memory_space<hbm>>) dst(%arg9 : memref<80x128xf32, #tpu.memory_space<vmem>>)
    %run_scoped3A = arith.constant 24 : i32
    "tpu.region"() ({
      %run_scoped3A_33 = tpu.sem_alloc : memref<!tpu.dma_semaphore, #tpu.memory_space<semaphore_mem>>
      %dma_start3A_34 = arith.constant 0 : i32
      %dma_start3A_35 = arith.constant 0 : i32
      %dma_start3A_36 = tpu.memref_slice %arg5[%add3A, %run_scoped3A, %dma_start3A_34, %dma_start3A_35] : memref<32x25x80x256xf32, #tpu.memory_space<hbm>> -> memref<1x1x80x128xf32, #tpu.memory_space<hbm>>
      %dma_start3A_37 = tpu.memref_squeeze %dma_start3A_36 : memref<1x1x80x128xf32, #tpu.memory_space<hbm>> -> memref<80x128xf32, #tpu.memory_space<hbm>>
      %dma_start3A_38 = arith.constant 0 : i32
      %dma_start3A_39 = arith.constant 0 : i32
      %dma_start3A_40 = tpu.memref_slice %arg5[%add3A, %run_scoped3A, %dma_start3A_38, %dma_start3A_39] : memref<32x25x80x256xf32, #tpu.memory_space<hbm>> -> memref<1x1x80x128xf32, #tpu.memory_space<hbm>>
      %dma_start3A_41 = tpu.memref_squeeze %dma_start3A_40 : memref<1x1x80x128xf32, #tpu.memory_space<hbm>> -> memref<80x128xf32, #tpu.memory_space<hbm>>
      tpu.enqueue_dma source(%arg8 : memref<80x128xf32, #tpu.memory_space<vmem>>) target(%dma_start3A_41 : memref<80x128xf32, #tpu.memory_space<hbm>>) target_semaphore(%run_scoped3A_33 : memref<!tpu.dma_semaphore, #tpu.memory_space<semaphore_mem>>)
      %dma_wait3A_42 = arith.constant 0 : i32
      %dma_wait3A_43 = arith.constant 0 : i32
      %dma_wait3A_44 = tpu.memref_slice %arg5[%add3A, %run_scoped3A, %dma_wait3A_42, %dma_wait3A_43] : memref<32x25x80x256xf32, #tpu.memory_space<hbm>> -> memref<1x1x80x128xf32, #tpu.memory_space<hbm>>
      %dma_wait3A_45 = tpu.memref_squeeze %dma_wait3A_44 : memref<1x1x80x128xf32, #tpu.memory_space<hbm>> -> memref<80x128xf32, #tpu.memory_space<hbm>>
      %dma_wait3A_46 = arith.constant 0 : i32
      %dma_wait3A_47 = arith.constant 0 : i32
      %dma_wait3A_48 = tpu.memref_slice %arg5[%add3A, %run_scoped3A, %dma_wait3A_46, %dma_wait3A_47] : memref<32x25x80x256xf32, #tpu.memory_space<hbm>> -> memref<1x1x80x128xf32, #tpu.memory_space<hbm>>
      %dma_wait3A_49 = tpu.memref_squeeze %dma_wait3A_48 : memref<1x1x80x128xf32, #tpu.memory_space<hbm>> -> memref<80x128xf32, #tpu.memory_space<hbm>>
      tpu.wait_dma2 semaphore(%run_scoped3A_33 : memref<!tpu.dma_semaphore, #tpu.memory_space<semaphore_mem>>) src(%arg8 : memref<80x128xf32, #tpu.memory_space<vmem>>) dst(%dma_wait3A_49 : memref<80x128xf32, #tpu.memory_space<hbm>>)
      tpu.yield
    }) : () -> ()
    %run_scoped3A_32 = arith.constant 24 : i32
    "tpu.region"() ({
      %run_scoped3A_33 = tpu.sem_alloc : memref<!tpu.dma_semaphore, #tpu.memory_space<semaphore_mem>>
      %dma_start3A_34 = arith.constant 0 : i32
      %dma_start3A_35 = arith.constant 128 : i32
      %dma_start3A_36 = tpu.memref_slice %arg5[%add3A, %run_scoped3A_32, %dma_start3A_34, %dma_start3A_35] : memref<32x25x80x256xf32, #tpu.memory_space<hbm>> -> memref<1x1x80x128xf32, #tpu.memory_space<hbm>>
      %dma_start3A_37 = tpu.memref_squeeze %dma_start3A_36 : memref<1x1x80x128xf32, #tpu.memory_space<hbm>> -> memref<80x128xf32, #tpu.memory_space<hbm>>
      %dma_start3A_38 = arith.constant 0 : i32
      %dma_start3A_39 = arith.constant 128 : i32
      %dma_start3A_40 = tpu.memref_slice %arg5[%add3A, %run_scoped3A_32, %dma_start3A_38, %dma_start3A_39] : memref<32x25x80x256xf32, #tpu.memory_space<hbm>> -> memref<1x1x80x128xf32, #tpu.memory_space<hbm>>
      %dma_start3A_41 = tpu.memref_squeeze %dma_start3A_40 : memref<1x1x80x128xf32, #tpu.memory_space<hbm>> -> memref<80x128xf32, #tpu.memory_space<hbm>>
      tpu.enqueue_dma source(%arg9 : memref<80x128xf32, #tpu.memory_space<vmem>>) target(%dma_start3A_41 : memref<80x128xf32, #tpu.memory_space<hbm>>) target_semaphore(%run_scoped3A_33 : memref<!tpu.dma_semaphore, #tpu.memory_space<semaphore_mem>>)
      %dma_wait3A_42 = arith.constant 0 : i32
      %dma_wait3A_43 = arith.constant 128 : i32
      %dma_wait3A_44 = tpu.memref_slice %arg5[%add3A, %run_scoped3A_32, %dma_wait3A_42, %dma_wait3A_43] : memref<32x25x80x256xf32, #tpu.memory_space<hbm>> -> memref<1x1x80x128xf32, #tpu.memory_space<hbm>>
      %dma_wait3A_45 = tpu.memref_squeeze %dma_wait3A_44 : memref<1x1x80x128xf32, #tpu.memory_space<hbm>> -> memref<80x128xf32, #tpu.memory_space<hbm>>
      %dma_wait3A_46 = arith.constant 0 : i32
      %dma_wait3A_47 = arith.constant 128 : i32
      %dma_wait3A_48 = tpu.memref_slice %arg5[%add3A, %run_scoped3A_32, %dma_wait3A_46, %dma_wait3A_47] : memref<32x25x80x256xf32, #tpu.memory_space<hbm>> -> memref<1x1x80x128xf32, #tpu.memory_space<hbm>>
      %dma_wait3A_49 = tpu.memref_squeeze %dma_wait3A_48 : memref<1x1x80x128xf32, #tpu.memory_space<hbm>> -> memref<80x128xf32, #tpu.memory_space<hbm>>
      tpu.wait_dma2 semaphore(%run_scoped3A_33 : memref<!tpu.dma_semaphore, #tpu.memory_space<semaphore_mem>>) src(%arg9 : memref<80x128xf32, #tpu.memory_space<vmem>>) dst(%dma_wait3A_49 : memref<80x128xf32, #tpu.memory_space<hbm>>)
      tpu.yield
    }) : () -> ()
    return
  }
}

</mosaic_0001>

<sc_bundles>
// kernel: _sc_gather.3.cloned.1.call-start
scs
__scs_entry_jumppad:
0x0: {  	(pc) =	sbr.rel $0x88, $3  }
0x1: {  	(tag) =	ssettag $0x0;
	lr =	simm.s32 $0x1  }
0x2: {  	[smem:$0x3F9E] =	sst lr;
	_ =	strace $0xD0000000  }
0x3: {  	_ = 	snop  }
0x4: {  	_ = 	snop  }
0x5: {  	_ = 	snop  }
0x6: {  	_ = 	snop  }
0x7: {  	_ = 	snop  }
__scs_overlays_trampoline_lowered:
0x8: {  	[smem:$0x3FAD] =	sst s0  }
0x9: {  	[smem:$0x3FAE] =	sst s1  }
0xa: {  	[smem:$0x3FAF] =	sst s2  }
0xb: {  	[smem:$0x3FB0] =	sst s3  }
0xc: {  	[smem:$0x3FB1] =	sst s4  }
0xd: {  	[smem:$0x3FB2] =	sst s5  }
0xe: {  	[smem:$0x3FB3] =	sst s6  }
0xf: {  	[smem:$0x3FB4] =	sst s7  }
0x10: {  	[smem:$0x3FB5] =	sst s8  }
0x11: {  	[smem:$0x3FB6] =	sst s9;
	s0 =	simm.s32 @!p0 $0x0  }
0x12: {  	s1 =	sld [smem:$0x3F9C];
	s0 =	simm.s32 @p0 $0x1  }
0x13: {  	[smem:$0x3FB7] =	sst s0;
	s0 =	simm.s32 @!p1 $0x0  }
0x14: {  	s2 =	sld [smem:$0x3F9B];
	s0 =	simm.s32 @p1 $0x1  }
0x15: {  	[smem:$0x3FB8] =	sst s0;
	s0 =	simm.s32 @!p2 $0x0  }
0x16: {  	s3 =	sld [smem:$0x3FDB];
	s0 =	simm.s32 @p2 $0x1  }
0x17: {  	s4 =	simm.s32 $0x1BF5;
	[smem:$0x3FBA] =	sst s0  }
0x18: {  	s0 =	sld [smem:$0x3F9D];
	_ =	swait.ge [sflag:s4], $0x0  }
0x19: {  	s7 =	sld [smem:$0x3F9E]  }
0x1a: {  	s8 =	sadd.s32 $0xFFFFE003, lr  }
0x1b: {  	s9 =	sadd.s32 $0xFFFFFEF7, lr;
	s5 =	simm.s32 $0xFFFFFFFF;
	p2 =	slt.u32 s8, $0xFFFFF086  }
0x1c: {  	p1 =	slt.u32 s9, $0xF7A;
	s5 =	simm.s32 @!p2 $0x0  }
0x1d: {  	s5 =	simm.s32 @p1 $0x1;
	p0 =	seq.s32 s7, s2  }
0x1e: {  	s7 =	smul.u32 @!p0 $0xF7A, s2;
	p2 =	seq.s32 @!p0 s5, $0x0  }
0x1f: {  	s9 =	smul.u32 $0xF7A, s1;
	s8 =	simm.s32 @!p0 $0x1BF5;
	p2 =	por !p2, p0  }
0x20: {  	[sflag:s8] =	ssyncset.s32 @!p0 $0xFFFFF086;
	s6 =	sadd.s32 @!p0 s3, s7;
	s7 =	simm.s32 @!p0 $0x108  }
0x21: {  	s3 =	sadd.s32 s3, s9;
	s6 =	sadd.s32 @!p0 $0x88, s6;
	s7 =	simm.s32 @p2 $0x1082  }
0x22: {  	[simem:s7], [sflag:s8] =	dma.local @!p0 [hbm:s6], $0xF7A  }
0x23: {  	s9 =	sor.u32 $0xD0000000, s2;
	s6 =	simm.s32 $0x108;
	_ =	swait.ge @!p0 [sflag:s8], $0x0  }
0x24: {  	s3 =	sadd.s32 $0x88, s3;
	s6 =	simm.s32 @!p1 $0x1082;
	[sflag:s4] =	ssyncset.s32 $0xFFFFF086  }
0x25: {  	[simem:s6], [sflag:s4] =	dma.local [hbm:s3], $0xF7A  }
0x26: {  	[smem:$0x3F9E] =	sst s1;
	(tag) =	ssettag s2;
	_ =	strace s9  }
0x27: {  	s1 =	sld [smem:$0x3FAE]  }
0x28: {  	s2 =	sld [smem:$0x3FAF]  }
0x29: {  	s4 =	sld [smem:$0x3FB1]  }
0x2a: {  	p0 =	seq.s32 s5, $0x0;
	s5 =	sld [smem:$0x3FB2]  }
0x2b: {  	s6 =	sld [smem:$0x3FB3]  }
0x2c: {  	s7 =	sld [smem:$0x3FB4]  }
0x2d: {  	s3 =	simm.s32 $0x108;
	s8 =	sld [smem:$0x3FB5]  }
0x2e: {  	s3 =	simm.s32 @!p0 $0x1082;
	s9 =	sld [smem:$0x3FB6]  }
0x2f: {  	lr =	sadd.s32 s0, s3;
	s0 =	sld [smem:$0x3FAD]  }
0x30: {  	s3 =	sld [smem:$0x3FB0]  }
0x31: {  	[smem:$0x3FB9] =	sst s10  }
0x32: {  	s10 =	sld [smem:$0x3FB7];
	_ =	sdelay $0x3  }
0x33: {  	p0 =	seq.s32 s10, $0x1;
	s10 =	sld [smem:$0x3FB9];
	_ =	sdelay $0x3  }
0x34: {  	[smem:$0x3FB9] =	sst s10  }
0x35: {  	s10 =	sld [smem:$0x3FB8];
	_ =	sdelay $0x3  }
0x36: {  	p1 =	seq.s32 s10, $0x1;
	s10 =	sld [smem:$0x3FB9];
	_ =	sdelay $0x3  }
0x37: {  	[smem:$0x3FB9] =	sst s10  }
0x38: {  	s10 =	sld [smem:$0x3FBA]  }
0x39: {  	_ = 	snop;
	(pc) =	sbr.ind lr, $3  }
0x3a: {  	_ = 	snop  }
0x3b: {  	_ = 	snop  }
0x3c: {  	p2 =	seq.s32 s10, $0x1;
	s10 =	sld [smem:$0x3FB9]  }
0x3d: {  	_ =	shalt  }
0x3e: {  	_ =	shalt  }
0x3f: {  	_ =	shalt  }
0x40: {  	_ =	shalt  }
0x41: {  	_ =	shalt  }
0x42: {  	_ =	shalt  }
0x43: {  	_ =	shalt  }
0x44: {  	_ =	shalt  }
0x45: {  	_ =	shalt  }
0x46: {  	_ =	shalt  }
0x47: {  	_ =	shalt  }
0x48: {  	_ =	shalt  }
0x49: {  	_ =	shalt  }
0x4a: {  	_ =	shalt  }
0x4b: {  	_ =	shalt  }
0x4c: {  	_ =	shalt  }
0x4d: {  	_ =	shalt  }
0x4e: {  	_ =	shalt  }
0x4f: {  	_ =	shalt  }
0x50: {  	_ =	shalt  }
0x51: {  	_ =	shalt  }
0x52: {  	_ =	shalt  }
0x53: {  	_ =	shalt  }
0x54: {  	_ =	shalt  }
0x55: {  	_ =	shalt  }
0x56: {  	_ =	shalt  }
0x57: {  	_ =	shalt  }
0x58: {  	_ =	shalt  }
0x59: {  	_ =	shalt  }
0x5a: {  	_ =	shalt  }
0x5b: {  	_ =	shalt  }
0x5c: {  	_ =	shalt  }
0x5d: {  	_ =	shalt  }
0x5e: {  	_ =	shalt  }
0x5f: {  	_ =	shalt  }
0x60: {  	_ =	shalt  }
0x61: {  	_ =	shalt  }
0x62: {  	_ =	shalt  }
0x63: {  	_ =	shalt  }
0x64: {  	_ =	shalt  }
0x65: {  	_ =	shalt  }
0x66: {  	_ =	shalt  }
0x67: {  	_ =	shalt  }
0x68: {  	_ =	shalt  }
0x69: {  	_ =	shalt  }
0x6a: {  	_ =	shalt  }
0x6b: {  	_ =	shalt  }
0x6c: {  	_ =	shalt  }
0x6d: {  	_ =	shalt  }
0x6e: {  	_ =	shalt  }
0x6f: {  	_ =	shalt  }
0x70: {  	_ =	shalt  }
0x71: {  	_ =	shalt  }
0x72: {  	_ =	shalt  }
0x73: {  	_ =	shalt  }
0x74: {  	_ =	shalt  }
0x75: {  	_ =	shalt  }
0x76: {  	_ =	shalt  }
0x77: {  	_ =	shalt  }
0x78: {  	_ =	shalt  }
0x79: {  	_ =	shalt  }
0x7a: {  	_ =	shalt  }
0x7b: {  	_ =	shalt  }
0x7c: {  	_ =	shalt  }
0x7d: {  	_ =	shalt  }
0x7e: {  	_ =	shalt  }
0x7f: {  	_ =	shalt  }
0x80: {  	_ =	shalt  }
0x81: {  	_ =	shalt  }
0x82: {  	_ =	shalt  }
0x83: {  	_ =	shalt  }
0x84: {  	_ =	shalt  }
0x85: {  	_ =	shalt  }
0x86: {  	_ =	shalt  }
0x87: {  	_ =	shalt  }
.Lfunc_end0:
.L_simem_size_0:
called_computation_lowered:
.L_overlay_start_0:
0x88: {  	s2 =	sld [smem:$0x3FD9]  }
0x89: {  	s3 =	sld [smem:$0x3FFE];
	_ =	sdelay $0x1  }
0x8a: {  	s1 =	srdreg.scid  }
0x8b: {  	s0 =	sand.u32 $0x1, s1  }
0x8c: {  	s17 =	sshll.u32 s0, $0xA;
	s2 =	sadd.s32 s3, s2  }
0x8d: {  	s2 =	sadd.s32 s2, s17  }
0x8e: {  	[smem:$0x3FC5] =	sst s2  }
0x8f: {  	_ = 	snop  }
0x90: {  	s2 =	sld [smem:$0x3FC9]  }
0x91: {  	s18 =	sld [smem:$0x3FD0];
	(tm) =	ssettm $0x1  }
0x92: {  	s4 =	sld [smem:$0x3FFB];
	_ =	sdelay $0x3  }
0x93: {  	_ =	strace s4  }
0x94: {  	s4 =	sld [smem:$0x3FFC];
	_ =	sdelay $0x3  }
0x95: {  	_ =	strace s4  }
0x96: {  	s4 =	sld [smem:$0x3FFD];
	_ =	sdelay $0x3  }
0x97: {  	_ =	strace s4  }
0x98: {  	_ =	strace $0x8FFFFFFF  }
0x99: {  	s19 =	sld [smem:$0x3FDB];
	_ =	sdelay $0x1  }
0x9a: {  	s5 =	simm.s32 $_scs_section_size  }
0x9b: {  	s6 =	simm.s32 $_size__tile_overlayer_lowered;
	s7 =	simm.s32 $_tile_overlayer_lowered  }
0x9c: {  	s22 =	simm.s32 $0x1BFF;
	s21 =	sshll.u32 s7, $0x1;
	s4 =	sadd.s32 s5, s19  }
0x9d: {  	s8 =	simm.s32 $0x0;
	s20 =	sshll.u32 s6, $0x1;
	s6 =	sadd.s32 s21, s4  }
0x9e: {  	[timem:s8], [sflag:s22] =	dma.local [hbm:s6], s20  }
0x9f: {  	_ =	swait.ge [sflag:s22], s20  }
0xa0: {  	s5 =	ssub.s32 $0x0, s20;
	[sflag:s22] =	ssyncset.done $0x0  }
0xa1: {  	[sflag:s22] =	ssyncadd.s32 s5;
	_ =	sdelay $0x1  }
0xa2: {  	s23 =	simm.s32 $0x1B8B  }
0xa3: {  	_ =	swait.ge [sflag:s23], $0x1  }
0xa4: {  	[sflag:s23] =	ssyncset.done $0x0  }
0xa5: {  	s25 =	simm.s32 $0x1B8E;
	s24 =	sld [smem:$0x3FFE];
	[sflag:s23] =	ssyncadd.s32 $0xFFFFFFFF  }
0xa6: {  	s26 =	simm.s32 $execute0_lowered;
	[smem:$0x3FD2] =	sst s25  }
0xa7: {  	s6 =	sshll.u32 s26, $0x1;
	_ =	strace $0x80000046;
	[dreg:$0x1] =	wrdreg $0xFFFFFFFF  }
0xa8: {  	s28 =	simm.s32 $_size_execute0_lowered;
	s4 =	sadd.s32 s4, s6;
	[dreg:$0x0] =	wrdreg $0x0  }
0xa9: {  	s6 =	sshll.u32 s28, $0x1;
	[dreg:$0x2] =	wrdreg s4  }
0xaa: {  	[dreg:$0x3] =	wrdreg s6  }
0xab: {  	[dreg:$0x4] =	wrdreg $0xC0  }
0xac: {  	_ =	task [dreg:s8], $0x5FFFF  }
0xad: {  	[dreg:$0x1] =	wrdreg $0xFFFFFFFF  }
0xae: {  	[dreg:$0x0] =	wrdreg $0x60  }
0xaf: {  	[dreg:$0x2] =	wrdreg s2  }
0xb0: {  	[dreg:$0x3] =	wrdreg s24  }
0xb1: {  	[dreg:$0x4] =	wrdreg s18  }
0xb2: {  	[dreg:$0x5] =	wrdreg $0x9  }
0xb3: {  	_ =	task.clear_ibuf [dreg:s8], $0x6FFFF;
	_ =	strace $0x90000046  }
0xb4: {  	s29 =	simm.s32 $0x9;
	_ =	strace $0x80000048  }
0xb5: {  	_ =	swait.ge [sflag:s29], $0x1  }
0xb6: {  	[sflag:s29] =	ssyncadd.s32 $0xFFFFFFFF  }
0xb7: {  	_ =	strace $0x90000048  }
0xb8: {  	_ =	sfence  }
0xb9: {  	s30 =	sld [smem:$0x0];
	_ =	sdelay $0x2  }
0xba: {  	s31 =	sshll.u32 s1, $0xD;
	s1 =	sshrl.u32 s1, $0x2  }
0xbb: {  	s3 =	sand.u32 $0x4000, s31;
	s1 =	sadd.s32 s1, s30  }
0xbc: {  	s0 =	sor.u32 s3, s0;
	s1 =	sshll.u32 s1, $0x11  }
0xbd: {  	s0 =	sor.u32 s1, s0  }
0xbe: {  	s0 =	sadd.s32 $0x8F2B, s0  }
0xbf: {  	[sflag:s0] =	ssyncadd.remote.s32 $0x1  }
0xc0: {  	_ =	sfence.sel $0xFFFF  }
0xc1: {  	[dreg:$0x0] =	wrdreg $0xFFFFFFFF;
	(pc) =	sbr.abs _section_cstart, $3  }
0xc2: {  	[dreg:$0x1] =	wrdreg $0xFFFFFFFF  }
0xc3: {  	_ =	task.clear_ibuf [dreg:s8], $0x2FFFF;
	_ =	strace $0x9FFFFFFF  }
0xc4: {  	(tm) =	ssettm $0x7FFFFFFF  }
0xc5: {  	_ =	shalt  }
tec
execute0_lowered:
.L_overlay_start_1:
0x0: {  	(tag) =	ssettag $0x1  }
0x1: {  	s1 =	rddreg [dreg:$0x0]  }
0x2: {  	s2 =	srdreg.scid;
	s4 =	rddreg [dreg:$0x1]  }
0x3: {  	s0 =	stileid.u32;
	s8 =	rddreg [dreg:$0x2]  }
0x4: {  	s12 =	simm.s32 $0x1000;
	s13 =	simm.s32 $0x50;
	s14 =	simm.s32 $0x2000  }
0x5: {  	s15 =	simm.s32 $0x4800;
	s16 =	simm.s32 $0x1;
	s17 =	simm.s32 $0x2  }
0x6: {  	s18 =	simm.s32 $0x7000;
	s19 =	simm.s32 $0x9800;
	s20 =	simm.s32 $0x400  }
0x7: {  	s21 =	simm.s32 $0x800;
	s22 =	simm.s32 $0x3;
	s23 =	simm.s32 $0x4  }
0x8: {  	s24 =	simm.s32 $0x5;
	s25 =	simm.s32 $0x6;
	s26 =	simm.s32 $0x7  }
0x9: {  	s28 =	simm.s32 $0x8;
	s2 =	sand.u32 $0x1, s2;
	s3 =	sshll.u32 s0, $0x1  }
0xa: {  	s29 =	simm.s32 $0x0;
	s9 =	smul.u32 $0xFA000, s0;
	s5 =	sor.u32 s2, s3  }
0xb: {  	s3 =	simm.s32 $0x0;
	s7 =	ssub.s32 $0x2, s2;
	s2 =	smul.u32 $0x7D000, s2  }
0xc: {  	s6 =	smul.u32 $0x7D000, s5;
	[smem:$0x7FF] =	sst s3;
	s5 =	sshll.u32 s5, $0x9  }
0xd: {  	s10 =	sshrl.u32 s7, $0x1;
	_ =	strace $0x80000047;
	s5 =	sadd.s32 s5, s4  }
0xe: {  	s10 =	ssub.s32 s7, s10;
	s2 =	sadd.s32 s2, s9;
	s30 =	sadd.s32 $0x400, s5  }
0xf: {  	s6 =	sshrl.u32 s6, $0x3;
	s5 =	sadd.s32 $0x4400, s5;
	s9 =	sadd.s32 $0x5000, s2  }
0x10: {  	s2 =	sshrl.u32 s2, $0x3;
	[dreg:$0x4] =	wrdreg s30;
	s31 =	sadd.s32 s8, s6  }
0x11: {  	s9 =	sshrl.u32 s9, $0x3;
	s2 =	sadd.s32 s2, s8;
	s6 =	sadd.s32 $0xF000, s31  }
0x12: {  	s7 =	sadd.s32 $0xF080, s31;
	s11 =	sadd.s32 s9, s8;
	s8 =	smax.u32 s10, $0x1  }
0x13: {  	s9 =	sadd.s32 $0x80, s2;
	s2 =	sadd.s32 $0x80, s11;
	s11 =	simm.s32 $0x9  }
.LBB2_1:
0x14: {  	s0 =	rddreg [dreg:$0x4]  }
0x15: {  	[tilespmem:s3], [sflag:$0x9] =	stream.linear.gather [hbm4b:s0+s3], $0xC80, $0x38;
	[tilespmem:$0xC000] =	vst v63  }
0x16: {  	_ =	swait.ge [sflag:s11], $0xC80  }
0x17: {  	[sflag:s11] =	ssyncset.done $0x0  }
0x18: {  	[sflag:s11] =	ssyncadd.s32 $0xFFFFF380  }
0x19: {  	[tilespmem:s12], [sflag:$0x9] =	stream.linear.gather [hbm4b:s5+s3], $0xC80, $0x38;
	[tilespmem:$0xC000] =	vst v63  }
0x1a: {  	_ =	swait.ge [sflag:s11], $0xC80  }
0x1b: {  	[sflag:s11] =	ssyncset.done $0x0  }
0x1c: {  	[sflag:s11] =	ssyncadd.s32 $0xFFFFF380  }
0x1d: {  	[tilespmem:s14], [sflag:$0x1] =	stream.indirect.gather [hbm4b:s1+s13], $0x80, s3, s13, $0xb8;
	[tilespmem:$0xC000] =	vst v63  }
0x1e: {  	_ = 	snop  }
0x1f: {  	[tilespmem:s15], [sflag:$0x2] =	stream.indirect.gather [hbm4b:s1+s13], $0x80, s12, s13, $0xb8;
	[tilespmem:$0xC000] =	vst v63  }
0x20: {  	_ =	swait.ge [sflag:s16], $0x2800  }
0x21: {  	[sflag:s16] =	ssyncset.done $0x0  }
0x22: {  	[sflag:s16] =	ssyncadd.s32 $0xFFFFD800  }
0x23: {  	_ =	swait.ge [sflag:s17], $0x2800  }
0x24: {  	[sflag:s17] =	ssyncset.done $0x0  }
0x25: {  	s10 =	simm.s32 $0x80;
	[sflag:s17] =	ssyncadd.s32 $0xFFFFD800  }
0x26: {  	[tilespmem:s18], [sflag:$0x3] =	stream.indirect.gather [hbm4b:s1+s13], $0x80, s10, s13, $0xb8;
	[tilespmem:$0xC000] =	vst v63  }
0x27: {  	s4 =	simm.s32 $0x1080  }
0x28: {  	[tilespmem:s19], [sflag:$0x4] =	stream.indirect.gather [hbm4b:s1+s13], $0x80, s4, s13, $0xb8;
	[tilespmem:$0xC000] =	vst v63  }
0x29: {  	s0 =	sadd.s32 $0xFFFFFF80, s9  }
0x2a: {  	[hbm4b:s0+s20] =	stream.strided.scatter [tilespmem:s14], [sflag:$0x5], $0x2800, s21, s20, $0x38;
	[tilespmem:$0xC000] =	vst v63  }
0x2b: {  	_ = 	snop  }
0x2c: {  	[hbm4b:s9+s20] =	stream.strided.scatter [tilespmem:s15], [sflag:$0x6], $0x2800, s21, s20, $0x38;
	[tilespmem:$0xC000] =	vst v63  }
0x2d: {  	_ =	swait.ge [sflag:s22], $0x2800  }
0x2e: {  	[sflag:s22] =	ssyncset.done $0x0  }
0x2f: {  	[sflag:s22] =	ssyncadd.s32 $0xFFFFD800  }
0x30: {  	_ =	swait.ge [sflag:s23], $0x2800  }
0x31: {  	[sflag:s23] =	ssyncset.done $0x0  }
0x32: {  	s4 =	sadd.s32 $0xFFFFFF80, s2;
	[sflag:s23] =	ssyncadd.s32 $0xFFFFD800  }
0x33: {  	[hbm4b:s4+s20] =	stream.strided.scatter [tilespmem:s18], [sflag:$0x7], $0x2800, s21, s20, $0x38;
	[tilespmem:$0xC000] =	vst v63  }
0x34: {  	_ = 	snop  }
0x35: {  	[hbm4b:s2+s20] =	stream.strided.scatter [tilespmem:s19], [sflag:$0x8], $0x2800, s21, s20, $0x38;
	[tilespmem:$0xC000] =	vst v63  }
0x36: {  	_ =	swait.ge [sflag:s24], $0x2800  }
0x37: {  	[sflag:s24] =	ssyncset.done $0x0  }
0x38: {  	[sflag:s24] =	ssyncadd.s32 $0xFFFFD800  }
0x39: {  	_ =	swait.ge [sflag:s25], $0x2800  }
0x3a: {  	[sflag:s25] =	ssyncset.done $0x0  }
0x3b: {  	s0 =	simm.s32 $0x100;
	[sflag:s25] =	ssyncadd.s32 $0xFFFFD800  }
0x3c: {  	[tilespmem:s14], [sflag:$0x1] =	stream.indirect.gather [hbm4b:s1+s13], $0x80, s0, s13, $0xb8;
	[tilespmem:$0xC000] =	vst v63  }
0x3d: {  	s4 =	simm.s32 $0x1100  }
0x3e: {  	[tilespmem:s15], [sflag:$0x2] =	stream.indirect.gather [hbm4b:s1+s13], $0x80, s4, s13, $0xb8;
	[tilespmem:$0xC000] =	vst v63  }
0x3f: {  	_ =	swait.ge [sflag:s26], $0x2800  }
0x40: {  	[sflag:s26] =	ssyncset.done $0x0  }
0x41: {  	[sflag:s26] =	ssyncadd.s32 $0xFFFFD800  }
0x42: {  	s30 =	simm.s32 $0x400;
	_ =	swait.ge [sflag:s28], $0x2800  }
0x43: {  	s31 =	smov.u32 s9;
	s10 =	smov.u32 s2;
	[sflag:s28] =	ssyncset.done $0x0  }
.LBB2_2:
0x44: {  	[sflag:s28] =	ssyncadd.s32 $0xFFFFD800  }
0x45: {  	s31 =	sadd.s32 $0x1400, s31;
	s10 =	sadd.s32 $0x1400, s10;
	s0 =	smov.u32 s30  }
0x46: {  	p0 =	sne.s32 s30, $0x2C00;
	s30 =	sadd.s32 $0x400, s30;
	_ =	swait.ge [sflag:s16], $0x2800  }
0x47: {  	[sflag:s16] =	ssyncset.done $0x0  }
0x48: {  	[sflag:s16] =	ssyncadd.s32 $0xFFFFD800  }
0x49: {  	_ =	swait.ge [sflag:s17], $0x2800  }
0x4a: {  	s0 =	sshra.s32 s0, $0x2;
	[sflag:s17] =	ssyncset.done $0x0  }
0x4b: {  	s4 =	sadd.s32 $0x80, s0;
	[sflag:s17] =	ssyncadd.s32 $0xFFFFD800  }
0x4c: {  	[tilespmem:s18], [sflag:$0x3] =	stream.indirect.gather [hbm4b:s1+s13], $0x80, s4, s13, $0xb8;
	[tilespmem:$0xC000] =	vst v63  }
0x4d: {  	s4 =	sadd.s32 $0x1080, s0  }
0x4e: {  	[tilespmem:s19], [sflag:$0x4] =	stream.indirect.gather [hbm4b:s1+s13], $0x80, s4, s13, $0xb8;
	[tilespmem:$0xC000] =	vst v63  }
0x4f: {  	s4 =	sadd.s32 $0xFFFFFF80, s31  }
0x50: {  	[hbm4b:s4+s20] =	stream.strided.scatter [tilespmem:s14], [sflag:$0x5], $0x2800, s21, s20, $0x38;
	[tilespmem:$0xC000] =	vst v63  }
0x51: {  	_ = 	snop  }
0x52: {  	[hbm4b:s31+s20] =	stream.strided.scatter [tilespmem:s15], [sflag:$0x6], $0x2800, s21, s20, $0x38;
	[tilespmem:$0xC000] =	vst v63  }
0x53: {  	_ =	swait.ge [sflag:s22], $0x2800  }
0x54: {  	[sflag:s22] =	ssyncset.done $0x0  }
0x55: {  	[sflag:s22] =	ssyncadd.s32 $0xFFFFD800  }
0x56: {  	_ =	swait.ge [sflag:s23], $0x2800  }
0x57: {  	[sflag:s23] =	ssyncset.done $0x0  }
0x58: {  	s4 =	sadd.s32 $0xFFFFFF80, s10;
	[sflag:s23] =	ssyncadd.s32 $0xFFFFD800  }
0x59: {  	[hbm4b:s4+s20] =	stream.strided.scatter [tilespmem:s18], [sflag:$0x7], $0x2800, s21, s20, $0x38;
	[tilespmem:$0xC000] =	vst v63  }
0x5a: {  	_ = 	snop  }
0x5b: {  	[hbm4b:s10+s20] =	stream.strided.scatter [tilespmem:s19], [sflag:$0x8], $0x2800, s21, s20, $0x38;
	[tilespmem:$0xC000] =	vst v63  }
0x5c: {  	_ =	swait.ge [sflag:s24], $0x2800  }
0x5d: {  	[sflag:s24] =	ssyncset.done $0x0  }
0x5e: {  	[sflag:s24] =	ssyncadd.s32 $0xFFFFD800  }
0x5f: {  	_ =	swait.ge [sflag:s25], $0x2800  }
0x60: {  	[sflag:s25] =	ssyncset.done $0x0  }
0x61: {  	s4 =	sadd.s32 $0x100, s0;
	[sflag:s25] =	ssyncadd.s32 $0xFFFFD800  }
0x62: {  	[tilespmem:s14], [sflag:$0x1] =	stream.indirect.gather [hbm4b:s1+s13], $0x80, s4, s13, $0xb8;
	[tilespmem:$0xC000] =	vst v63  }
0x63: {  	s0 =	sadd.s32 $0x1100, s0  }
0x64: {  	[tilespmem:s15], [sflag:$0x2] =	stream.indirect.gather [hbm4b:s1+s13], $0x80, s0, s13, $0xb8;
	[tilespmem:$0xC000] =	vst v63  }
.Ltmp0:
0x65: {  	_ =	swait.ge [sflag:s26], $0x2800;
	(pc) =	sbr.rel @p0 .LBB2_2-.Ltmp0, $4  }
0x66: {  	[sflag:s26] =	ssyncset.done $0x0  }
0x67: {  	[sflag:s26] =	ssyncadd.s32 $0xFFFFD800  }
0x68: {  	_ =	swait.ge [sflag:s28], $0x2800  }
0x69: {  	[sflag:s28] =	ssyncset.done $0x0  }
0x6a: {  	[sflag:s28] =	ssyncadd.s32 $0xFFFFD800  }
0x6b: {  	_ =	swait.ge [sflag:s16], $0x2800  }
0x6c: {  	[sflag:s16] =	ssyncset.done $0x0  }
0x6d: {  	[sflag:s16] =	ssyncadd.s32 $0xFFFFD800  }
0x6e: {  	_ =	swait.ge [sflag:s17], $0x2800  }
0x6f: {  	[sflag:s17] =	ssyncset.done $0x0  }
0x70: {  	[sflag:s17] =	ssyncadd.s32 $0xFFFFD800  }
0x71: {  	[hbm4b:s6+s20] =	stream.strided.scatter [tilespmem:s14], [sflag:$0x9], $0x2800, s21, s20, $0x38;
	[tilespmem:$0xC000] =	vst v63  }
0x72: {  	s29 =	sadd.s32 $0x1, s29;
	_ =	swait.ge [sflag:s11], $0x2800  }
0x73: {  	p0 =	sne.s32 s29, s8;
	[sflag:s11] =	ssyncset.done $0x0  }
.Ltmp1:
0x74: {  	[sflag:s11] =	ssyncadd.s32 $0xFFFFD800;
	(pc) =	sbr.rel @p0 .LBB2_1-.Ltmp1, $4  }
0x75: {  	[hbm4b:s7+s20] =	stream.strided.scatter [tilespmem:s15], [sflag:$0x9], $0x2800, s21, s20, $0x38;
	[tilespmem:$0xC000] =	vst v63  }
0x76: {  	_ =	swait.ge [sflag:s11], $0x2800  }
0x77: {  	[sflag:s11] =	ssyncset.done $0x0  }
0x78: {  	[sflag:s11] =	ssyncadd.s32 $0xFFFFD800  }
0x79: {  	_ =	sfence.sel $0x180000  }
0x7a: {  	[bflag:$0x0] =	sbarrier.arrive $0xFFFF  }
0x7b: {  	_ =	strace $0x90000047  }
0x7c: {  	s0 =	stileid.u32;
	[bflag:$0x2] =	sbarrier.arrive $0xFFFF  }
0x7d: {  	p0 =	sne.s32 s0, $0x0;
	s0 =	rddreg [dreg:$0x3]  }
0x7e: {  	s0 =	sadd.s32 @!p0 $0x100000, s0  }
0x7f: {  	[sflag:s0] =	ssyncadd.tile.s32 @!p0 $0x1;
	_ =	shalt  }
.Lfunc_end2:
_tile_overlayer_lowered:
.L_overlay_start_2:
0x80: {  	(tag) =	ssettag $0x2  }
0x81: {  	s0 =	rddreg [dreg:$0x0];
	s2 =	stileid.u32  }
0x82: {  	s1 =	rddreg [dreg:$0x1];
	p0 =	sne.s32 s2, $0x0  }
0x83: {  	s3 =	rddreg [dreg:$0x2];
	[bflag:$0x3] =	sbarrier.arrive $0xFFFF;
	s2 =	simm.s32 @!p0 $0x1C09  }
0x84: {  	[timem:s3], [sflag:s2] =	dma.local @!p0 [hbm:s0], s1  }
0x85: {  	s0 =	simm.s32 @!p0 $0x9  }
0x86: {  	_ =	swait.ge @!p0 [sflag:s0], s1  }
0x87: {  	s1 =	ssub.s32 @!p0 $0x0, s1;
	[sflag:s0] =	ssyncset.done @!p0 $0x0  }
0x88: {  	[sflag:s0] =	ssyncadd.s32 @!p0 s1  }
0x89: {  	[bflag:$0x3] =	sbarrier.arrive $0xFFFF  }
0x8a: {  	_ =	shalt  }

</sc_bundles>
